<compile_context>
chip_gen: v7x
topology: tpu7x:2x2x1
jax: 0.10.2.dev20260603
libtpu: 0.0.44.dev20260713+nightly
codegen_flags: <defaults>
</compile_context>

<pallas_src>
import jax
import jax.numpy as jnp
from jax import lax
from jax.experimental import pallas as pl
from jax.experimental.pallas import tpu as pltpu
from jax.experimental.pallas import tpu_sc as plsc

B = 8
N = 14
D = 512
CB = 128


def _body(in_hbm, out_hbm, x_v):
    wid = lax.axis_index("s") * 2 + lax.axis_index("c")
    b = lax.rem(wid, 8)
    col = lax.div(wid, 8) * CB
    pltpu.sync_copy(in_hbm.at[b, :, :, pl.ds(col, CB)], x_v)
    pltpu.sync_copy(x_v, out_hbm.at[b, :, :, pl.ds(col, CB)])


@jax.jit
def _mask_layer(inputs):
    return pl.kernel(
        _body,
        out_type=jax.ShapeDtypeStruct((B, N, N, D), jnp.float32),
        mesh=plsc.VectorSubcoreMesh(core_axis_name="c", subcore_axis_name="s"),
        scratch_types=[pltpu.VMEM((N, N, CB), jnp.float32)],
    )(inputs)


def kernel(inputs):
    return _mask_layer(inputs)

# --- scband reference (transcript-rebuilt; emitter-appended) ---
"""Pipeline reference for scband-mask-layer-61684320305653 (READ-ONLY COPY).

The authoritative reference and input builder live on the scoring server;
editing this copy changes nothing except your own understanding.
"""

import jax, jax.numpy as jnp
import numpy as np

BATCH = 8
IMG_SIZE = 14
DEPTH = 512


def setup_inputs(seed: int = 0) -> dict:
    key = jax.random.key(seed)
    inputs = jax.random.normal(key, (BATCH, IMG_SIZE, IMG_SIZE, DEPTH), dtype=jnp.float32)
    return {"inputs": inputs}


def reference(inputs):
    # inputs: [B, n, n, D]. For each (batch, channel) feature map, find the
    # argmax location (i_max, j_max) on the flattened n*n map, build the mask
    # mat[i, j] = tau * max(1 - beta * (|i - i_max| + |j - j_max|) / n, -1)
    # with tau = 0.5 / (n*n), beta = 4, and multiply elementwise.
    B, n, _, D = inputs.shape
    tau = 0.5 / (n * n)
    beta = 4.0
    flat = inputs.reshape(B, n * n, D)
    mu = jnp.argmax(flat, axis=1)  # [B, D], row-major flattened index (matches tf reshape)
    i_max = (mu // n).astype(jnp.float32)  # [B, D]
    j_max = (mu % n).astype(jnp.float32)   # [B, D]
    ii = jnp.arange(n, dtype=jnp.float32)[None, :, None, None]  # broadcast over b, i, j, d
    jj = jnp.arange(n, dtype=jnp.float32)[None, None, :, None]
    dist = jnp.abs(ii - i_max[:, None, None, :]) + jnp.abs(jj - j_max[:, None, None, :])  # [B, n, n, D]
    mask = tau * jnp.maximum(1.0 - beta * dist / n, -1.0)
    return inputs * mask

if __name__ == "__main__":
    import jax
    _d = setup_inputs()
    print(jax.jit(kernel)(*tuple(_d.values())))

</pallas_src>

<mosaic_0001>
#map = affine_map<(d0, d1) -> (0, 0, 0, 0)>
module attributes {stable_mosaic.version = 14 : i64} {
  func.func @_body(%arg0: i32, %arg1: i32, %arg2: memref<8x14x14x512xf32, #tpu.memory_space<hbm>>, %arg3: memref<8x14x14x512xf32, #tpu.memory_space<hbm>>, %arg4: memref<14x14x128xf32, #tpu.memory_space<vmem>>) attributes {dimension_semantics = [#tpu.dimension_semantics<core_parallel>, #tpu.dimension_semantics<subcore_parallel>], iteration_bounds = array<i64: 2, 16>, scalar_prefetch = 0 : i64, scratch_operands = 1 : i64, tpu.core_type = #tpu.core_type<sc_vector_subcore>, window_params = [{transform_indices = #map}, {transform_indices = #map}]} {
    %mul3A = arith.constant 2 : i32
    %mul3A_0 = arith.muli %arg1, %mul3A : i32
    %add3A = arith.addi %mul3A_0, %arg0 : i32
    %rem3A = arith.constant 8 : i32
    %rem3A_1 = arith.remsi %add3A, %rem3A : i32
    %div3A = arith.constant 8 : i32
    %div3A_2 = arith.divsi %add3A, %div3A : i32
    %mul3A_3 = arith.constant 128 : i32
    %mul3A_4 = arith.muli %div3A_2, %mul3A_3 : i32
    "tpu.region"() ({
      %run_scoped3A = tpu.sem_alloc : memref<!tpu.dma_semaphore, #tpu.memory_space<semaphore_mem>>
      %dma_start3A = arith.constant 0 : i32
      %dma_start3A_5 = arith.constant 0 : i32
      %dma_start3A_6 = tpu.memref_slice %arg2[%rem3A_1, %dma_start3A, %dma_start3A_5, %mul3A_4] : memref<8x14x14x512xf32, #tpu.memory_space<hbm>> -> memref<1x14x14x128xf32, #tpu.memory_space<hbm>>
      %dma_start3A_7 = tpu.memref_squeeze %dma_start3A_6 : memref<1x14x14x128xf32, #tpu.memory_space<hbm>> -> memref<14x14x128xf32, #tpu.memory_space<hbm>>
      %dma_start3A_8 = arith.constant 0 : i32
      %dma_start3A_9 = arith.constant 0 : i32
      %dma_start3A_10 = tpu.memref_slice %arg2[%rem3A_1, %dma_start3A_8, %dma_start3A_9, %mul3A_4] : memref<8x14x14x512xf32, #tpu.memory_space<hbm>> -> memref<1x14x14x128xf32, #tpu.memory_space<hbm>>
      %dma_start3A_11 = tpu.memref_squeeze %dma_start3A_10 : memref<1x14x14x128xf32, #tpu.memory_space<hbm>> -> memref<14x14x128xf32, #tpu.memory_space<hbm>>
      tpu.enqueue_dma source(%dma_start3A_11 : memref<14x14x128xf32, #tpu.memory_space<hbm>>) target(%arg4 : memref<14x14x128xf32, #tpu.memory_space<vmem>>) target_semaphore(%run_scoped3A : memref<!tpu.dma_semaphore, #tpu.memory_space<semaphore_mem>>)
      %dma_wait3A = arith.constant 0 : i32
      %dma_wait3A_12 = arith.constant 0 : i32
      %dma_wait3A_13 = tpu.memref_slice %arg2[%rem3A_1, %dma_wait3A, %dma_wait3A_12, %mul3A_4] : memref<8x14x14x512xf32, #tpu.memory_space<hbm>> -> memref<1x14x14x128xf32, #tpu.memory_space<hbm>>
      %dma_wait3A_14 = tpu.memref_squeeze %dma_wait3A_13 : memref<1x14x14x128xf32, #tpu.memory_space<hbm>> -> memref<14x14x128xf32, #tpu.memory_space<hbm>>
      %dma_wait3A_15 = arith.constant 0 : i32
      %dma_wait3A_16 = arith.constant 0 : i32
      %dma_wait3A_17 = tpu.memref_slice %arg2[%rem3A_1, %dma_wait3A_15, %dma_wait3A_16, %mul3A_4] : memref<8x14x14x512xf32, #tpu.memory_space<hbm>> -> memref<1x14x14x128xf32, #tpu.memory_space<hbm>>
      %dma_wait3A_18 = tpu.memref_squeeze %dma_wait3A_17 : memref<1x14x14x128xf32, #tpu.memory_space<hbm>> -> memref<14x14x128xf32, #tpu.memory_space<hbm>>
      tpu.wait_dma2 semaphore(%run_scoped3A : memref<!tpu.dma_semaphore, #tpu.memory_space<semaphore_mem>>) src(%dma_wait3A_18 : memref<14x14x128xf32, #tpu.memory_space<hbm>>) dst(%arg4 : memref<14x14x128xf32, #tpu.memory_space<vmem>>)
      tpu.yield
    }) : () -> ()
    "tpu.region"() ({
      %run_scoped3A = tpu.sem_alloc : memref<!tpu.dma_semaphore, #tpu.memory_space<semaphore_mem>>
      %dma_start3A = arith.constant 0 : i32
      %dma_start3A_5 = arith.constant 0 : i32
      %dma_start3A_6 = tpu.memref_slice %arg3[%rem3A_1, %dma_start3A, %dma_start3A_5, %mul3A_4] : memref<8x14x14x512xf32, #tpu.memory_space<hbm>> -> memref<1x14x14x128xf32, #tpu.memory_space<hbm>>
      %dma_start3A_7 = tpu.memref_squeeze %dma_start3A_6 : memref<1x14x14x128xf32, #tpu.memory_space<hbm>> -> memref<14x14x128xf32, #tpu.memory_space<hbm>>
      %dma_start3A_8 = arith.constant 0 : i32
      %dma_start3A_9 = arith.constant 0 : i32
      %dma_start3A_10 = tpu.memref_slice %arg3[%rem3A_1, %dma_start3A_8, %dma_start3A_9, %mul3A_4] : memref<8x14x14x512xf32, #tpu.memory_space<hbm>> -> memref<1x14x14x128xf32, #tpu.memory_space<hbm>>
      %dma_start3A_11 = tpu.memref_squeeze %dma_start3A_10 : memref<1x14x14x128xf32, #tpu.memory_space<hbm>> -> memref<14x14x128xf32, #tpu.memory_space<hbm>>
      tpu.enqueue_dma source(%arg4 : memref<14x14x128xf32, #tpu.memory_space<vmem>>) target(%dma_start3A_11 : memref<14x14x128xf32, #tpu.memory_space<hbm>>) target_semaphore(%run_scoped3A : memref<!tpu.dma_semaphore, #tpu.memory_space<semaphore_mem>>)
      %dma_wait3A = arith.constant 0 : i32
      %dma_wait3A_12 = arith.constant 0 : i32
      %dma_wait3A_13 = tpu.memref_slice %arg3[%rem3A_1, %dma_wait3A, %dma_wait3A_12, %mul3A_4] : memref<8x14x14x512xf32, #tpu.memory_space<hbm>> -> memref<1x14x14x128xf32, #tpu.memory_space<hbm>>
      %dma_wait3A_14 = tpu.memref_squeeze %dma_wait3A_13 : memref<1x14x14x128xf32, #tpu.memory_space<hbm>> -> memref<14x14x128xf32, #tpu.memory_space<hbm>>
      %dma_wait3A_15 = arith.constant 0 : i32
      %dma_wait3A_16 = arith.constant 0 : i32
      %dma_wait3A_17 = tpu.memref_slice %arg3[%rem3A_1, %dma_wait3A_15, %dma_wait3A_16, %mul3A_4] : memref<8x14x14x512xf32, #tpu.memory_space<hbm>> -> memref<1x14x14x128xf32, #tpu.memory_space<hbm>>
      %dma_wait3A_18 = tpu.memref_squeeze %dma_wait3A_17 : memref<1x14x14x128xf32, #tpu.memory_space<hbm>> -> memref<14x14x128xf32, #tpu.memory_space<hbm>>
      tpu.wait_dma2 semaphore(%run_scoped3A : memref<!tpu.dma_semaphore, #tpu.memory_space<semaphore_mem>>) src(%arg4 : memref<14x14x128xf32, #tpu.memory_space<vmem>>) dst(%dma_wait3A_18 : memref<14x14x128xf32, #tpu.memory_space<hbm>>)
      tpu.yield
    }) : () -> ()
    return
  }
}

</mosaic_0001>

<sc_bundles>
// kernel: _mask_layer.3.cloned.1.call-start
scs
__scs_entry_jumppad:
0x0: {  	(pc) =	sbr.rel $0x88, $3  }
0x1: {  	(tag) =	ssettag $0x0;
	lr =	simm.s32 $0x1  }
0x2: {  	[smem:$0x3FA0] =	sst lr;
	_ =	strace $0xD0000000  }
0x3: {  	_ = 	snop  }
0x4: {  	_ = 	snop  }
0x5: {  	_ = 	snop  }
0x6: {  	_ = 	snop  }
0x7: {  	_ = 	snop  }
__scs_overlays_trampoline_lowered:
0x8: {  	[smem:$0x3FAF] =	sst s0  }
0x9: {  	[smem:$0x3FB0] =	sst s1  }
0xa: {  	[smem:$0x3FB1] =	sst s2  }
0xb: {  	[smem:$0x3FB2] =	sst s3  }
0xc: {  	[smem:$0x3FB3] =	sst s4  }
0xd: {  	[smem:$0x3FB4] =	sst s5  }
0xe: {  	[smem:$0x3FB5] =	sst s6  }
0xf: {  	[smem:$0x3FB6] =	sst s7  }
0x10: {  	[smem:$0x3FB7] =	sst s8  }
0x11: {  	[smem:$0x3FB8] =	sst s9;
	s0 =	simm.s32 @!p0 $0x0  }
0x12: {  	s1 =	sld [smem:$0x3F9E];
	s0 =	simm.s32 @p0 $0x1  }
0x13: {  	[smem:$0x3FB9] =	sst s0;
	s0 =	simm.s32 @!p1 $0x0  }
0x14: {  	s2 =	sld [smem:$0x3F9D];
	s0 =	simm.s32 @p1 $0x1  }
0x15: {  	[smem:$0x3FBA] =	sst s0;
	s0 =	simm.s32 @!p2 $0x0  }
0x16: {  	s3 =	sld [smem:$0x3FDB];
	s0 =	simm.s32 @p2 $0x1  }
0x17: {  	s4 =	simm.s32 $0x1BF5;
	[smem:$0x3FBC] =	sst s0  }
0x18: {  	s0 =	sld [smem:$0x3F9F];
	_ =	swait.ge [sflag:s4], $0x0  }
0x19: {  	s7 =	sld [smem:$0x3FA0]  }
0x1a: {  	s8 =	sadd.s32 $0xFFFFE003, lr  }
0x1b: {  	s9 =	sadd.s32 $0xFFFFFEF7, lr;
	s5 =	simm.s32 $0xFFFFFFFF;
	p2 =	slt.u32 s8, $0xFFFFF086  }
0x1c: {  	p1 =	slt.u32 s9, $0xF7A;
	s5 =	simm.s32 @!p2 $0x0  }
0x1d: {  	s5 =	simm.s32 @p1 $0x1;
	p0 =	seq.s32 s7, s2  }
0x1e: {  	s7 =	smul.u32 @!p0 $0xF7A, s2;
	p2 =	seq.s32 @!p0 s5, $0x0  }
0x1f: {  	s9 =	smul.u32 $0xF7A, s1;
	s8 =	simm.s32 @!p0 $0x1BF5;
	p2 =	por !p2, p0  }
0x20: {  	[sflag:s8] =	ssyncset.s32 @!p0 $0xFFFFF086;
	s6 =	sadd.s32 @!p0 s3, s7;
	s7 =	simm.s32 @!p0 $0x108  }
0x21: {  	s3 =	sadd.s32 s3, s9;
	s6 =	sadd.s32 @!p0 $0x88, s6;
	s7 =	simm.s32 @p2 $0x1082  }
0x22: {  	[simem:s7], [sflag:s8] =	dma.local @!p0 [hbm:s6], $0xF7A  }
0x23: {  	s9 =	sor.u32 $0xD0000000, s2;
	s6 =	simm.s32 $0x108;
	_ =	swait.ge @!p0 [sflag:s8], $0x0  }
0x24: {  	s3 =	sadd.s32 $0x88, s3;
	s6 =	simm.s32 @!p1 $0x1082;
	[sflag:s4] =	ssyncset.s32 $0xFFFFF086  }
0x25: {  	[simem:s6], [sflag:s4] =	dma.local [hbm:s3], $0xF7A  }
0x26: {  	[smem:$0x3FA0] =	sst s1;
	(tag) =	ssettag s2;
	_ =	strace s9  }
0x27: {  	s1 =	sld [smem:$0x3FB0]  }
0x28: {  	s2 =	sld [smem:$0x3FB1]  }
0x29: {  	s4 =	sld [smem:$0x3FB3]  }
0x2a: {  	p0 =	seq.s32 s5, $0x0;
	s5 =	sld [smem:$0x3FB4]  }
0x2b: {  	s6 =	sld [smem:$0x3FB5]  }
0x2c: {  	s7 =	sld [smem:$0x3FB6]  }
0x2d: {  	s3 =	simm.s32 $0x108;
	s8 =	sld [smem:$0x3FB7]  }
0x2e: {  	s3 =	simm.s32 @!p0 $0x1082;
	s9 =	sld [smem:$0x3FB8]  }
0x2f: {  	lr =	sadd.s32 s0, s3;
	s0 =	sld [smem:$0x3FAF]  }
0x30: {  	s3 =	sld [smem:$0x3FB2]  }
0x31: {  	[smem:$0x3FBB] =	sst s10  }
0x32: {  	s10 =	sld [smem:$0x3FB9];
	_ =	sdelay $0x3  }
0x33: {  	p0 =	seq.s32 s10, $0x1;
	s10 =	sld [smem:$0x3FBB];
	_ =	sdelay $0x3  }
0x34: {  	[smem:$0x3FBB] =	sst s10  }
0x35: {  	s10 =	sld [smem:$0x3FBA];
	_ =	sdelay $0x3  }
0x36: {  	p1 =	seq.s32 s10, $0x1;
	s10 =	sld [smem:$0x3FBB];
	_ =	sdelay $0x3  }
0x37: {  	[smem:$0x3FBB] =	sst s10  }
0x38: {  	s10 =	sld [smem:$0x3FBC]  }
0x39: {  	_ = 	snop;
	(pc) =	sbr.ind lr, $3  }
0x3a: {  	_ = 	snop  }
0x3b: {  	_ = 	snop  }
0x3c: {  	p2 =	seq.s32 s10, $0x1;
	s10 =	sld [smem:$0x3FBB]  }
0x3d: {  	_ =	shalt  }
0x3e: {  	_ =	shalt  }
0x3f: {  	_ =	shalt  }
0x40: {  	_ =	shalt  }
0x41: {  	_ =	shalt  }
0x42: {  	_ =	shalt  }
0x43: {  	_ =	shalt  }
0x44: {  	_ =	shalt  }
0x45: {  	_ =	shalt  }
0x46: {  	_ =	shalt  }
0x47: {  	_ =	shalt  }
0x48: {  	_ =	shalt  }
0x49: {  	_ =	shalt  }
0x4a: {  	_ =	shalt  }
0x4b: {  	_ =	shalt  }
0x4c: {  	_ =	shalt  }
0x4d: {  	_ =	shalt  }
0x4e: {  	_ =	shalt  }
0x4f: {  	_ =	shalt  }
0x50: {  	_ =	shalt  }
0x51: {  	_ =	shalt  }
0x52: {  	_ =	shalt  }
0x53: {  	_ =	shalt  }
0x54: {  	_ =	shalt  }
0x55: {  	_ =	shalt  }
0x56: {  	_ =	shalt  }
0x57: {  	_ =	shalt  }
0x58: {  	_ =	shalt  }
0x59: {  	_ =	shalt  }
0x5a: {  	_ =	shalt  }
0x5b: {  	_ =	shalt  }
0x5c: {  	_ =	shalt  }
0x5d: {  	_ =	shalt  }
0x5e: {  	_ =	shalt  }
0x5f: {  	_ =	shalt  }
0x60: {  	_ =	shalt  }
0x61: {  	_ =	shalt  }
0x62: {  	_ =	shalt  }
0x63: {  	_ =	shalt  }
0x64: {  	_ =	shalt  }
0x65: {  	_ =	shalt  }
0x66: {  	_ =	shalt  }
0x67: {  	_ =	shalt  }
0x68: {  	_ =	shalt  }
0x69: {  	_ =	shalt  }
0x6a: {  	_ =	shalt  }
0x6b: {  	_ =	shalt  }
0x6c: {  	_ =	shalt  }
0x6d: {  	_ =	shalt  }
0x6e: {  	_ =	shalt  }
0x6f: {  	_ =	shalt  }
0x70: {  	_ =	shalt  }
0x71: {  	_ =	shalt  }
0x72: {  	_ =	shalt  }
0x73: {  	_ =	shalt  }
0x74: {  	_ =	shalt  }
0x75: {  	_ =	shalt  }
0x76: {  	_ =	shalt  }
0x77: {  	_ =	shalt  }
0x78: {  	_ =	shalt  }
0x79: {  	_ =	shalt  }
0x7a: {  	_ =	shalt  }
0x7b: {  	_ =	shalt  }
0x7c: {  	_ =	shalt  }
0x7d: {  	_ =	shalt  }
0x7e: {  	_ =	shalt  }
0x7f: {  	_ =	shalt  }
0x80: {  	_ =	shalt  }
0x81: {  	_ =	shalt  }
0x82: {  	_ =	shalt  }
0x83: {  	_ =	shalt  }
0x84: {  	_ =	shalt  }
0x85: {  	_ =	shalt  }
0x86: {  	_ =	shalt  }
0x87: {  	_ =	shalt  }
.Lfunc_end0:
.L_simem_size_0:
called_computation_lowered:
.L_overlay_start_0:
0x88: {  	s2 =	sld [smem:$0x3FD9]  }
0x89: {  	s3 =	sld [smem:$0x3FFE];
	_ =	sdelay $0x1  }
0x8a: {  	s1 =	srdreg.scid  }
0x8b: {  	s0 =	sand.u32 $0x1, s1  }
0x8c: {  	s16 =	sshll.u32 s0, $0xA;
	s2 =	sadd.s32 s3, s2  }
0x8d: {  	s2 =	sadd.s32 s2, s16  }
0x8e: {  	[smem:$0x3FC7] =	sst s2  }
0x8f: {  	_ = 	snop  }
0x90: {  	(tm) =	ssettm $0x1  }
0x91: {  	s17 =	sld [smem:$0x3FFB];
	_ =	sdelay $0x3  }
0x92: {  	_ =	strace s17  }
0x93: {  	s2 =	sld [smem:$0x3FFC];
	_ =	sdelay $0x3  }
0x94: {  	_ =	strace s2  }
0x95: {  	s2 =	sld [smem:$0x3FFD];
	_ =	sdelay $0x3  }
0x96: {  	_ =	strace s2  }
0x97: {  	_ =	strace $0x8FFFFFFF  }
0x98: {  	s18 =	sld [smem:$0x3FDB];
	_ =	sdelay $0x1  }
0x99: {  	s19 =	simm.s32 $_scs_section_size  }
0x9a: {  	s4 =	simm.s32 $_size__tile_overlayer_lowered;
	s5 =	simm.s32 $_tile_overlayer_lowered  }
0x9b: {  	s22 =	simm.s32 $0x1BFF;
	s21 =	sshll.u32 s5, $0x1;
	s2 =	sadd.s32 s19, s18  }
0x9c: {  	s6 =	simm.s32 $0x0;
	s20 =	sshll.u32 s4, $0x1;
	s4 =	sadd.s32 s21, s2  }
0x9d: {  	[timem:s6], [sflag:s22] =	dma.local [hbm:s4], s20  }
0x9e: {  	_ =	swait.ge [sflag:s22], s20  }
0x9f: {  	s3 =	ssub.s32 $0x0, s20;
	[sflag:s22] =	ssyncset.done $0x0  }
0xa0: {  	[sflag:s22] =	ssyncadd.s32 s3;
	_ =	sdelay $0x1  }
0xa1: {  	s23 =	simm.s32 $0x1B8B  }
0xa2: {  	_ =	swait.ge [sflag:s23], $0x1  }
0xa3: {  	[sflag:s23] =	ssyncset.done $0x0  }
0xa4: {  	s25 =	simm.s32 $0x1B8E;
	s24 =	sld [smem:$0x3FFE];
	[sflag:s23] =	ssyncadd.s32 $0xFFFFFFFF  }
0xa5: {  	s26 =	simm.s32 $execute0_lowered;
	[smem:$0x3FD2] =	sst s25  }
0xa6: {  	s4 =	sshll.u32 s26, $0x1;
	_ =	strace $0x80000046;
	[dreg:$0x1] =	wrdreg $0xFFFFFFFF  }
0xa7: {  	s28 =	simm.s32 $_size_execute0_lowered;
	s2 =	sadd.s32 s2, s4;
	[dreg:$0x0] =	wrdreg $0x0  }
0xa8: {  	s4 =	sshll.u32 s28, $0x1;
	[dreg:$0x2] =	wrdreg s2  }
0xa9: {  	[dreg:$0x3] =	wrdreg s4  }
0xaa: {  	[dreg:$0x4] =	wrdreg $0xC0  }
0xab: {  	_ =	task [dreg:s6], $0x5FFFF  }
0xac: {  	[dreg:$0x1] =	wrdreg $0xFFFFFFFF  }
0xad: {  	[dreg:$0x0] =	wrdreg $0x60  }
0xae: {  	[dreg:$0x2] =	wrdreg s24  }
0xaf: {  	[dreg:$0x3] =	wrdreg $0x9  }
0xb0: {  	_ =	task.clear_ibuf [dreg:s6], $0x4FFFF;
	_ =	strace $0x90000046  }
0xb1: {  	s29 =	simm.s32 $0x9;
	_ =	strace $0x80000048  }
0xb2: {  	_ =	swait.ge [sflag:s29], $0x1  }
0xb3: {  	[sflag:s29] =	ssyncadd.s32 $0xFFFFFFFF  }
0xb4: {  	_ =	strace $0x90000048  }
0xb5: {  	_ =	sfence  }
0xb6: {  	s30 =	sld [smem:$0x0];
	_ =	sdelay $0x2  }
0xb7: {  	s31 =	sshll.u32 s1, $0xD;
	s1 =	sshrl.u32 s1, $0x2  }
0xb8: {  	s3 =	sand.u32 $0x4000, s31;
	s1 =	sadd.s32 s1, s30  }
0xb9: {  	s0 =	sor.u32 s3, s0;
	s1 =	sshll.u32 s1, $0x11  }
0xba: {  	s0 =	sor.u32 s1, s0  }
0xbb: {  	s0 =	sadd.s32 $0x8F2B, s0  }
0xbc: {  	[sflag:s0] =	ssyncadd.remote.s32 $0x1  }
0xbd: {  	_ =	sfence.sel $0xFFFF  }
0xbe: {  	[dreg:$0x0] =	wrdreg $0xFFFFFFFF;
	(pc) =	sbr.abs _section_cstart, $3  }
0xbf: {  	[dreg:$0x1] =	wrdreg $0xFFFFFFFF  }
0xc0: {  	_ =	task.clear_ibuf [dreg:s6], $0x2FFFF;
	_ =	strace $0x9FFFFFFF  }
0xc1: {  	(tm) =	ssettm $0x7FFFFFFF  }
tec
execute0_lowered:
.L_overlay_start_1:
0x0: {  	(tag) =	ssettag $0x1  }
0x1: {  	s30 =	stileid.u32  }
0x2: {  	s0 =	srdreg.scid;
	s1 =	sshll.u32 s30, $0x1  }
0x3: {  	s0 =	sand.u32 $0x1, s0;
	s1 =	sand.u32 $0x6, s1  }
0x4: {  	s1 =	sor.u32 s0, s1  }
0x5: {  	s2 =	sshll.u32 s30, $0x8;
	s1 =	smul.u32 $0x1C000, s1  }
0x6: {  	s2 =	sand.u32 $0xC00, s2  }
0x7: {  	s1 =	sor.u32 s2, s1  }
0x8: {  	s3 =	rddreg [dreg:$0x0];
	s1 =	sshrl.u32 s1, $0x3  }
0x9: {  	s2 =	simm.s32 $0x0;
	s1 =	sadd.s32 s1, s3  }
0xa: {  	[smem:$0x7FF] =	sst s2;
	s3 =	sadd.s32 $0x400, s1  }
0xb: {  	_ =	strace $0x80000047;
	s26 =	sadd.s32 $0x800, s1;
	[dreg:$0x2] =	wrdreg s3  }
0xc: {  	s29 =	sadd.s32 $0xC00, s1;
	[dreg:$0x3] =	wrdreg s26  }
0xd: {  	s4 =	sadd.s32 $0x1000, s1;
	[dreg:$0x4] =	wrdreg s29  }
0xe: {  	s5 =	sadd.s32 $0x1400, s1;
	[dreg:$0x5] =	wrdreg s4  }
0xf: {  	s6 =	sadd.s32 $0x1800, s1;
	[dreg:$0x6] =	wrdreg s5  }
0x10: {  	s7 =	sadd.s32 $0x1C00, s1;
	[dreg:$0x7] =	wrdreg s6  }
0x11: {  	s8 =	sadd.s32 $0x2000, s1;
	[dreg:$0x8] =	wrdreg s7  }
0x12: {  	s9 =	sadd.s32 $0x2400, s1;
	[dreg:$0x9] =	wrdreg s8  }
0x13: {  	s10 =	sadd.s32 $0x2800, s1;
	[dreg:$0xa] =	wrdreg s9  }
0x14: {  	s11 =	sadd.s32 $0x2C00, s1;
	[dreg:$0xb] =	wrdreg s10  }
0x15: {  	s12 =	sadd.s32 $0x3000, s1;
	[dreg:$0xc] =	wrdreg s11  }
0x16: {  	s13 =	sadd.s32 $0x3400, s1;
	[dreg:$0xd] =	wrdreg s12  }
0x17: {  	s14 =	sadd.s32 $0x3800, s1;
	[dreg:$0xe] =	wrdreg s13  }
0x18: {  	s15 =	sadd.s32 $0x600, s1;
	[dreg:$0xf] =	wrdreg s14  }
0x19: {  	s16 =	sadd.s32 $0xA00, s1;
	[dreg:$0x10] =	wrdreg s15  }
0x1a: {  	s17 =	sadd.s32 $0xE00, s1;
	[dreg:$0x11] =	wrdreg s16  }
0x1b: {  	s18 =	sadd.s32 $0x1200, s1;
	[dreg:$0x12] =	wrdreg s17  }
0x1c: {  	s19 =	sadd.s32 $0x1600, s1;
	[dreg:$0x13] =	wrdreg s18  }
0x1d: {  	s20 =	sadd.s32 $0x1A00, s1;
	[dreg:$0x14] =	wrdreg s19  }
0x1e: {  	s21 =	sadd.s32 $0x1E00, s1;
	[dreg:$0x15] =	wrdreg s20  }
0x1f: {  	p0 =	por $0x0, $0x0;
	s22 =	sadd.s32 $0x2200, s1;
	[dreg:$0x16] =	wrdreg s21  }
0x20: {  	s31 =	simm.s32 $0x5C00;
	s23 =	sadd.s32 $0x2600, s1;
	[dreg:$0x17] =	wrdreg s22  }
0x21: {  	s0 =	ssub.s32 $0x2, s0;
	s24 =	sadd.s32 $0x2A00, s1;
	[dreg:$0x18] =	wrdreg s23  }
0x22: {  	s25 =	sadd.s32 $0x2E00, s1;
	s28 =	sadd.s32 $0x1C400, s1;
	[dreg:$0x19] =	wrdreg s24  }
0x23: {  	s4 =	sshrl.u32 s0, $0x1;
	[dreg:$0x1a] =	wrdreg s25;
	s26 =	sadd.s32 $0x3200, s1  }
0x24: {  	s29 =	sadd.s32 $0x3600, s1;
	s1 =	sadd.s32 $0x3A00, s1;
	s3 =	simm.s32 $0x1000  }
0x25: {  	s25 =	simm.s32 $0x3000;
	s23 =	simm.s32 $0x3800;
	s22 =	simm.s32 $0x4000  }
0x26: {  	s21 =	simm.s32 $0x4800;
	s20 =	simm.s32 $0x5000;
	s19 =	simm.s32 $0x5800  }
0x27: {  	s18 =	simm.s32 $0x6000;
	s17 =	simm.s32 $0x6800;
	s0 =	ssub.s32 s0, s4  }
0x28: {  	s16 =	simm.s32 $0x400;
	s15 =	simm.s32 $0xC00;
	s0 =	smax.u32 s0, $0x1  }
0x29: {  	s14 =	simm.s32 $0x1400;
	s13 =	simm.s32 $0x1C00;
	p1 =	sne.s32 s0, $0x1  }
.Ltmp0:
0x2a: {  	s12 =	simm.s32 $0x2400;
	s10 =	simm.s32 $0x2C00;
	(pc) =	sbr.rel @!p1 .LBB2_5-.Ltmp0, $4  }
0x2b: {  	s8 =	simm.s32 $0x3400;
	s5 =	simm.s32 $0x3C00;
	[dreg:$0x1b] =	wrdreg s26  }
0x2c: {  	s11 =	simm.s32 $0x4400;
	s9 =	simm.s32 $0x4C00;
	[dreg:$0x1c] =	wrdreg s29  }
0x2d: {  	s24 =	simm.s32 $0x5400;
	s7 =	simm.s32 $0x6400;
	[dreg:$0x1d] =	wrdreg s1  }
0x2e: {  	s26 =	simm.s32 $0x2800;
	s4 =	simm.s32 $0x1;
	s0 =	sadd.s32 $0xFFFFFFFF, s0  }
0x2f: {  	s1 =	rddreg [dreg:$0x2]  }
0x30: {  	[tilespmem:s2], [sflag:$0x1] =	stream.linear.gather [hbm4b:s1+s2], $0x400, $0x38;
	[tilespmem:$0x7000] =	vst v63  }
0x31: {  	s3 =	rddreg [dreg:$0x3];
	s1 =	simm.s32 $0x800  }
0x32: {  	[tilespmem:s1], [sflag:$0x1] =	stream.linear.gather [hbm4b:s3+s2], $0x400, $0x38;
	[tilespmem:$0x7000] =	vst v63  }
0x33: {  	s30 =	smov.u32 s0;
	s6 =	simm.s32 $0x1000;
	s0 =	rddreg [dreg:$0x4]  }
0x34: {  	[tilespmem:s6], [sflag:$0x1] =	stream.linear.gather [hbm4b:s0+s2], $0x400, $0x38;
	[tilespmem:$0x7000] =	vst v63  }
0x35: {  	s29 =	rddreg [dreg:$0x5];
	s6 =	simm.s32 $0x1800  }
0x36: {  	[tilespmem:s6], [sflag:$0x1] =	stream.linear.gather [hbm4b:s29+s2], $0x400, $0x38;
	[tilespmem:$0x7000] =	vst v63  }
0x37: {  	s0 =	rddreg [dreg:$0x6];
	s29 =	simm.s32 $0x2000  }
0x38: {  	[tilespmem:s29], [sflag:$0x1] =	stream.linear.gather [hbm4b:s0+s2], $0x400, $0x38;
	[tilespmem:$0x7000] =	vst v63  }
0x39: {  	s3 =	rddreg [dreg:$0x7]  }
0x3a: {  	[tilespmem:s26], [sflag:$0x1] =	stream.linear.gather [hbm4b:s3+s2], $0x400, $0x38;
	[tilespmem:$0x7000] =	vst v63  }
0x3b: {  	s0 =	rddreg [dreg:$0x8]  }
0x3c: {  	[tilespmem:s25], [sflag:$0x1] =	stream.linear.gather [hbm4b:s0+s2], $0x400, $0x38;
	[tilespmem:$0x7000] =	vst v63  }
0x3d: {  	s3 =	rddreg [dreg:$0x9]  }
0x3e: {  	[tilespmem:s23], [sflag:$0x1] =	stream.linear.gather [hbm4b:s3+s2], $0x400, $0x38;
	[tilespmem:$0x7000] =	vst v63  }
0x3f: {  	s0 =	rddreg [dreg:$0xa]  }
0x40: {  	[tilespmem:s22], [sflag:$0x1] =	stream.linear.gather [hbm4b:s0+s2], $0x400, $0x38;
	[tilespmem:$0x7000] =	vst v63  }
0x41: {  	s3 =	rddreg [dreg:$0xb]  }
0x42: {  	[tilespmem:s21], [sflag:$0x1] =	stream.linear.gather [hbm4b:s3+s2], $0x400, $0x38;
	[tilespmem:$0x7000] =	vst v63  }
0x43: {  	s0 =	rddreg [dreg:$0xc]  }
0x44: {  	[tilespmem:s20], [sflag:$0x1] =	stream.linear.gather [hbm4b:s0+s2], $0x400, $0x38;
	[tilespmem:$0x7000] =	vst v63  }
0x45: {  	s3 =	rddreg [dreg:$0xd]  }
0x46: {  	[tilespmem:s19], [sflag:$0x1] =	stream.linear.gather [hbm4b:s3+s2], $0x400, $0x38;
	[tilespmem:$0x7000] =	vst v63  }
0x47: {  	s0 =	rddreg [dreg:$0xe]  }
0x48: {  	[tilespmem:s18], [sflag:$0x1] =	stream.linear.gather [hbm4b:s0+s2], $0x400, $0x38;
	[tilespmem:$0x7000] =	vst v63  }
0x49: {  	s3 =	rddreg [dreg:$0xf]  }
0x4a: {  	[tilespmem:s17], [sflag:$0x1] =	stream.linear.gather [hbm4b:s3+s2], $0x400, $0x38;
	[tilespmem:$0x7000] =	vst v63  }
0x4b: {  	s0 =	rddreg [dreg:$0x10]  }
0x4c: {  	[tilespmem:s16], [sflag:$0x1] =	stream.linear.gather [hbm4b:s0+s2], $0x300, $0x38;
	[tilespmem:$0x7000] =	vst v63  }
0x4d: {  	s3 =	rddreg [dreg:$0x11]  }
0x4e: {  	[tilespmem:s15], [sflag:$0x1] =	stream.linear.gather [hbm4b:s3+s2], $0x300, $0x38;
	[tilespmem:$0x7000] =	vst v63  }
0x4f: {  	s0 =	rddreg [dreg:$0x12]  }
0x50: {  	[tilespmem:s14], [sflag:$0x1] =	stream.linear.gather [hbm4b:s0+s2], $0x300, $0x38;
	[tilespmem:$0x7000] =	vst v63  }
0x51: {  	s3 =	rddreg [dreg:$0x13]  }
0x52: {  	[tilespmem:s13], [sflag:$0x1] =	stream.linear.gather [hbm4b:s3+s2], $0x300, $0x38;
	[tilespmem:$0x7000] =	vst v63  }
0x53: {  	s0 =	rddreg [dreg:$0x14]  }
0x54: {  	[tilespmem:s12], [sflag:$0x1] =	stream.linear.gather [hbm4b:s0+s2], $0x300, $0x38;
	[tilespmem:$0x7000] =	vst v63  }
0x55: {  	s3 =	rddreg [dreg:$0x15]  }
0x56: {  	[tilespmem:s10], [sflag:$0x1] =	stream.linear.gather [hbm4b:s3+s2], $0x300, $0x38;
	[tilespmem:$0x7000] =	vst v63  }
0x57: {  	s0 =	rddreg [dreg:$0x16]  }
0x58: {  	[tilespmem:s8], [sflag:$0x1] =	stream.linear.gather [hbm4b:s0+s2], $0x300, $0x38;
	[tilespmem:$0x7000] =	vst v63  }
0x59: {  	s3 =	rddreg [dreg:$0x17]  }
0x5a: {  	[tilespmem:s5], [sflag:$0x1] =	stream.linear.gather [hbm4b:s3+s2], $0x300, $0x38;
	[tilespmem:$0x7000] =	vst v63  }
0x5b: {  	s0 =	rddreg [dreg:$0x18]  }
0x5c: {  	[tilespmem:s11], [sflag:$0x1] =	stream.linear.gather [hbm4b:s0+s2], $0x300, $0x38;
	[tilespmem:$0x7000] =	vst v63  }
0x5d: {  	s3 =	rddreg [dreg:$0x19]  }
0x5e: {  	[tilespmem:s9], [sflag:$0x1] =	stream.linear.gather [hbm4b:s3+s2], $0x300, $0x38;
	[tilespmem:$0x7000] =	vst v63  }
0x5f: {  	s0 =	rddreg [dreg:$0x1a]  }
0x60: {  	[tilespmem:s24], [sflag:$0x1] =	stream.linear.gather [hbm4b:s0+s2], $0x300, $0x38;
	[tilespmem:$0x7000] =	vst v63  }
0x61: {  	s3 =	rddreg [dreg:$0x1b]  }
0x62: {  	[tilespmem:s31], [sflag:$0x1] =	stream.linear.gather [hbm4b:s3+s2], $0x300, $0x38;
	[tilespmem:$0x7000] =	vst v63  }
0x63: {  	s0 =	rddreg [dreg:$0x1c]  }
0x64: {  	[tilespmem:s7], [sflag:$0x1] =	stream.linear.gather [hbm4b:s0+s2], $0x300, $0x38;
	[tilespmem:$0x7000] =	vst v63  }
0x65: {  	s3 =	rddreg [dreg:$0x1d];
	s7 =	simm.s32 $0x6C00  }
0x66: {  	[tilespmem:s7], [sflag:$0x1] =	stream.linear.gather [hbm4b:s3+s2], $0x300, $0x38;
	[tilespmem:$0x7000] =	vst v63  }
0x67: {  	_ =	swait.ge [sflag:s4], $0x6200  }
0x68: {  	[sflag:s4] =	ssyncset.done $0x0  }
0x69: {  	s7 =	sadd.s32 $0x400, s28;
	[sflag:s4] =	ssyncadd.s32 $0xFFFF9E00  }
0x6a: {  	[hbm4b:s28+s2] =	stream.linear.scatter [tilespmem:s2], [sflag:$0x1], $0x400, $0x38;
	[tilespmem:$0x7000] =	vst v63  }
0x6b: {  	[dreg:$0x1e] =	wrdreg s7  }
0x6c: {  	[hbm4b:s7+s2] =	stream.linear.scatter [tilespmem:s1], [sflag:$0x1], $0x400, $0x38;
	[tilespmem:$0x7000] =	vst v63  }
0x6d: {  	[smem:$0x7FC] =	sst s28;
	s1 =	sadd.s32 $0x800, s28;
	s7 =	simm.s32 $0x1000  }
0x6e: {  	[hbm4b:s1+s2] =	stream.linear.scatter [tilespmem:s7], [sflag:$0x1], $0x400, $0x38;
	[tilespmem:$0x7000] =	vst v63  }
0x6f: {  	[dreg:$0x1f] =	wrdreg s1;
	s1 =	sadd.s32 $0xC00, s28  }
0x70: {  	[hbm4b:s1+s2] =	stream.linear.scatter [tilespmem:s6], [sflag:$0x1], $0x400, $0x38;
	[tilespmem:$0x7000] =	vst v63  }
0x71: {  	s7 =	sadd.s32 $0x1400, s28;
	[smem:$0x7E4] =	sst s1;
	s6 =	sadd.s32 $0x1000, s28  }
0x72: {  	[hbm4b:s6+s2] =	stream.linear.scatter [tilespmem:s29], [sflag:$0x1], $0x400, $0x38;
	[tilespmem:$0x7000] =	vst v63  }
0x73: {  	[smem:$0x7E6] =	sst s7  }
0x74: {  	[hbm4b:s7+s2] =	stream.linear.scatter [tilespmem:s26], [sflag:$0x1], $0x400, $0x38;
	[tilespmem:$0x7000] =	vst v63  }
0x75: {  	[smem:$0x7E5] =	sst s6;
	s29 =	sadd.s32 $0x1800, s28  }
0x76: {  	[hbm4b:s29+s2] =	stream.linear.scatter [tilespmem:s25], [sflag:$0x1], $0x400, $0x38;
	[tilespmem:$0x7000] =	vst v63  }
0x77: {  	s6 =	sadd.s32 $0x1C00, s28;
	[smem:$0x7E7] =	sst s29  }
0x78: {  	[hbm4b:s6+s2] =	stream.linear.scatter [tilespmem:s23], [sflag:$0x1], $0x400, $0x38;
	[tilespmem:$0x7000] =	vst v63  }
0x79: {  	[smem:$0x7E8] =	sst s6;
	s7 =	sadd.s32 $0x2000, s28  }
0x7a: {  	[hbm4b:s7+s2] =	stream.linear.scatter [tilespmem:s22], [sflag:$0x1], $0x400, $0x38;
	[tilespmem:$0x7000] =	vst v63  }
0x7b: {  	s26 =	sadd.s32 $0x3000, s28;
	[smem:$0x7E9] =	sst s7;
	s22 =	sadd.s32 $0x2400, s28  }
0x7c: {  	[hbm4b:s22+s2] =	stream.linear.scatter [tilespmem:s21], [sflag:$0x1], $0x400, $0x38;
	[tilespmem:$0x7000] =	vst v63  }
0x7d: {  	[smem:$0x7ED] =	sst s26;
	s25 =	sadd.s32 $0x2C00, s28;
	s23 =	sadd.s32 $0x2800, s28  }
0x7e: {  	[hbm4b:s23+s2] =	stream.linear.scatter [tilespmem:s20], [sflag:$0x1], $0x400, $0x38;
	[tilespmem:$0x7000] =	vst v63  }
0x7f: {  	s29 =	sadd.s32 $0x3400, s28;
	[smem:$0x7EC] =	sst s25  }
0x80: {  	[hbm4b:s25+s2] =	stream.linear.scatter [tilespmem:s19], [sflag:$0x1], $0x400, $0x38;
	[tilespmem:$0x7000] =	vst v63  }
0x81: {  	[smem:$0x7EE] =	sst s29  }
0x82: {  	[hbm4b:s26+s2] =	stream.linear.scatter [tilespmem:s18], [sflag:$0x1], $0x400, $0x38;
	[tilespmem:$0x7000] =	vst v63  }
0x83: {  	s6 =	sadd.s32 $0x200, s28;
	[smem:$0x7EB] =	sst s23  }
0x84: {  	[hbm4b:s29+s2] =	stream.linear.scatter [tilespmem:s17], [sflag:$0x1], $0x400, $0x38;
	[tilespmem:$0x7000] =	vst v63  }
0x85: {  	[smem:$0x7EF] =	sst s6  }
0x86: {  	[hbm4b:s6+s2] =	stream.linear.scatter [tilespmem:s16], [sflag:$0x1], $0x300, $0x38;
	[tilespmem:$0x7000] =	vst v63  }
0x87: {  	s7 =	sadd.s32 $0x600, s28;
	[smem:$0x7EA] =	sst s22  }
0x88: {  	[hbm4b:s7+s2] =	stream.linear.scatter [tilespmem:s15], [sflag:$0x1], $0x300, $0x38;
	[tilespmem:$0x7000] =	vst v63  }
0x89: {  	[smem:$0x7F0] =	sst s7;
	s21 =	sadd.s32 $0x2200, s28;
	s15 =	sadd.s32 $0xA00, s28  }
0x8a: {  	[hbm4b:s15+s2] =	stream.linear.scatter [tilespmem:s14], [sflag:$0x1], $0x300, $0x38;
	[tilespmem:$0x7000] =	vst v63  }
0x8b: {  	s22 =	sadd.s32 $0x2600, s28;
	[smem:$0x7F7] =	sst s21;
	s16 =	sadd.s32 $0xE00, s28  }
0x8c: {  	[hbm4b:s16+s2] =	stream.linear.scatter [tilespmem:s13], [sflag:$0x1], $0x300, $0x38;
	[tilespmem:$0x7000] =	vst v63  }
0x8d: {  	[smem:$0x7F8] =	sst s22;
	s20 =	sadd.s32 $0x1E00, s28;
	s17 =	sadd.s32 $0x1200, s28  }
0x8e: {  	[hbm4b:s17+s2] =	stream.linear.scatter [tilespmem:s12], [sflag:$0x1], $0x300, $0x38;
	[tilespmem:$0x7000] =	vst v63  }
0x8f: {  	s23 =	sadd.s32 $0x2A00, s28;
	[smem:$0x7F6] =	sst s20;
	s18 =	sadd.s32 $0x1600, s28  }
0x90: {  	[hbm4b:s18+s2] =	stream.linear.scatter [tilespmem:s10], [sflag:$0x1], $0x300, $0x38;
	[tilespmem:$0x7000] =	vst v63  }
0x91: {  	[smem:$0x7F9] =	sst s23;
	s19 =	sadd.s32 $0x1A00, s28  }
0x92: {  	[hbm4b:s19+s2] =	stream.linear.scatter [tilespmem:s8], [sflag:$0x1], $0x300, $0x38;
	[tilespmem:$0x7000] =	vst v63  }
0x93: {  	s25 =	sadd.s32 $0x2E00, s28;
	[smem:$0x7F5] =	sst s19  }
0x94: {  	[hbm4b:s20+s2] =	stream.linear.scatter [tilespmem:s5], [sflag:$0x1], $0x300, $0x38;
	[tilespmem:$0x7000] =	vst v63  }
0x95: {  	[smem:$0x7FA] =	sst s25  }
0x96: {  	[hbm4b:s21+s2] =	stream.linear.scatter [tilespmem:s11], [sflag:$0x1], $0x300, $0x38;
	[tilespmem:$0x7000] =	vst v63  }
0x97: {  	s26 =	sadd.s32 $0x3200, s28;
	[smem:$0x7F4] =	sst s18  }
0x98: {  	[hbm4b:s22+s2] =	stream.linear.scatter [tilespmem:s9], [sflag:$0x1], $0x300, $0x38;
	[tilespmem:$0x7000] =	vst v63  }
0x99: {  	[smem:$0x7FB] =	sst s26  }
0x9a: {  	[hbm4b:s23+s2] =	stream.linear.scatter [tilespmem:s24], [sflag:$0x1], $0x300, $0x38;
	[tilespmem:$0x7000] =	vst v63  }
0x9b: {  	s29 =	sadd.s32 $0x3600, s28;
	[smem:$0x7F3] =	sst s17  }
0x9c: {  	[hbm4b:s25+s2] =	stream.linear.scatter [tilespmem:s31], [sflag:$0x1], $0x300, $0x38;
	[tilespmem:$0x7000] =	vst v63  }
0x9d: {  	p1 =	sne.s32 s30, $0x1;
	s0 =	simm.s32 $0x6400;
	[smem:$0x7FD] =	sst s29  }
0x9e: {  	[hbm4b:s26+s2] =	stream.linear.scatter [tilespmem:s0], [sflag:$0x1], $0x300, $0x38;
	[tilespmem:$0x7000] =	vst v63  }
.Ltmp1:
0x9f: {  	[smem:$0x7F2] =	sst s16;
	(pc) =	sbr.rel @!p1 .LBB2_6-.Ltmp1, $4  }
0xa0: {  	s3 =	simm.s32 $0x6C00;
	[smem:$0x7F1] =	sst s15  }
0xa1: {  	[hbm4b:s29+s2] =	stream.linear.scatter [tilespmem:s3], [sflag:$0x1], $0x300, $0x38;
	[tilespmem:$0x7000] =	vst v63  }
0xa2: {  	_ =	swait.ge [sflag:s4], $0x6200  }
0xa3: {  	p0 =	por $0x1, $0x1;
	s31 =	sadd.s32 $0xFFFFFFFF, s30;
	[sflag:s4] =	ssyncset.done $0x0  }
0xa4: {  	s19 =	simm.s32 $0x800;
	s22 =	simm.s32 $0x1000  }
0xa5: {  	s13 =	simm.s32 $0x1800;
	s14 =	simm.s32 $0x2000;
	s6 =	simm.s32 $0x2800  }
0xa6: {  	s29 =	simm.s32 $0x3000;
	s5 =	simm.s32 $0x3800;
	s9 =	simm.s32 $0x4000  }
0xa7: {  	s11 =	simm.s32 $0x4800;
	s20 =	simm.s32 $0x5000;
	s7 =	simm.s32 $0x5800  }
0xa8: {  	s16 =	simm.s32 $0x6000;
	s10 =	simm.s32 $0x6800;
	s23 =	simm.s32 $0x400  }
0xa9: {  	s8 =	simm.s32 $0xC00;
	s17 =	simm.s32 $0x1400;
	s24 =	simm.s32 $0x1C00  }
0xaa: {  	s25 =	simm.s32 $0x2400;
	s15 =	simm.s32 $0x2C00;
	s26 =	simm.s32 $0x3400  }
0xab: {  	s28 =	simm.s32 $0x3C00;
	s3 =	simm.s32 $0x4400;
	s18 =	simm.s32 $0x4C00  }
0xac: {  	s30 =	simm.s32 $0x5400;
	s21 =	simm.s32 $0x5C00;
	s12 =	simm.s32 $0x6400  }
.LBB2_3:
0xad: {  	s1 =	rddreg [dreg:$0x2];
	[sflag:s4] =	ssyncadd.s32 $0xFFFF9E00  }
0xae: {  	[tilespmem:s2], [sflag:$0x1] =	stream.linear.gather [hbm4b:s1+s2], $0x400, $0x38;
	[tilespmem:$0x7000] =	vst v63  }
0xaf: {  	s0 =	rddreg [dreg:$0x3]  }
0xb0: {  	[tilespmem:s19], [sflag:$0x1] =	stream.linear.gather [hbm4b:s0+s2], $0x400, $0x38;
	[tilespmem:$0x7000] =	vst v63  }
0xb1: {  	s1 =	rddreg [dreg:$0x4]  }
0xb2: {  	[tilespmem:s22], [sflag:$0x1] =	stream.linear.gather [hbm4b:s1+s2], $0x400, $0x38;
	[tilespmem:$0x7000] =	vst v63  }
0xb3: {  	s0 =	rddreg [dreg:$0x5]  }
0xb4: {  	[tilespmem:s13], [sflag:$0x1] =	stream.linear.gather [hbm4b:s0+s2], $0x400, $0x38;
	[tilespmem:$0x7000] =	vst v63  }
0xb5: {  	s1 =	rddreg [dreg:$0x6]  }
0xb6: {  	[tilespmem:s14], [sflag:$0x1] =	stream.linear.gather [hbm4b:s1+s2], $0x400, $0x38;
	[tilespmem:$0x7000] =	vst v63  }
0xb7: {  	s0 =	rddreg [dreg:$0x7]  }
0xb8: {  	[tilespmem:s6], [sflag:$0x1] =	stream.linear.gather [hbm4b:s0+s2], $0x400, $0x38;
	[tilespmem:$0x7000] =	vst v63  }
0xb9: {  	s1 =	rddreg [dreg:$0x8]  }
0xba: {  	[tilespmem:s29], [sflag:$0x1] =	stream.linear.gather [hbm4b:s1+s2], $0x400, $0x38;
	[tilespmem:$0x7000] =	vst v63  }
0xbb: {  	s0 =	rddreg [dreg:$0x9]  }
0xbc: {  	[tilespmem:s5], [sflag:$0x1] =	stream.linear.gather [hbm4b:s0+s2], $0x400, $0x38;
	[tilespmem:$0x7000] =	vst v63  }
0xbd: {  	s1 =	rddreg [dreg:$0xa]  }
0xbe: {  	[tilespmem:s9], [sflag:$0x1] =	stream.linear.gather [hbm4b:s1+s2], $0x400, $0x38;
	[tilespmem:$0x7000] =	vst v63  }
0xbf: {  	s0 =	rddreg [dreg:$0xb]  }
0xc0: {  	[tilespmem:s11], [sflag:$0x1] =	stream.linear.gather [hbm4b:s0+s2], $0x400, $0x38;
	[tilespmem:$0x7000] =	vst v63  }
0xc1: {  	s1 =	rddreg [dreg:$0xc]  }
0xc2: {  	[tilespmem:s20], [sflag:$0x1] =	stream.linear.gather [hbm4b:s1+s2], $0x400, $0x38;
	[tilespmem:$0x7000] =	vst v63  }
0xc3: {  	s0 =	rddreg [dreg:$0xd]  }
0xc4: {  	[tilespmem:s7], [sflag:$0x1] =	stream.linear.gather [hbm4b:s0+s2], $0x400, $0x38;
	[tilespmem:$0x7000] =	vst v63  }
0xc5: {  	s1 =	rddreg [dreg:$0xe]  }
0xc6: {  	[tilespmem:s16], [sflag:$0x1] =	stream.linear.gather [hbm4b:s1+s2], $0x400, $0x38;
	[tilespmem:$0x7000] =	vst v63  }
0xc7: {  	s0 =	rddreg [dreg:$0xf]  }
0xc8: {  	[tilespmem:s10], [sflag:$0x1] =	stream.linear.gather [hbm4b:s0+s2], $0x400, $0x38;
	[tilespmem:$0x7000] =	vst v63  }
0xc9: {  	s1 =	rddreg [dreg:$0x10]  }
0xca: {  	[tilespmem:s23], [sflag:$0x1] =	stream.linear.gather [hbm4b:s1+s2], $0x300, $0x38;
	[tilespmem:$0x7000] =	vst v63  }
0xcb: {  	s0 =	rddreg [dreg:$0x11]  }
0xcc: {  	[tilespmem:s8], [sflag:$0x1] =	stream.linear.gather [hbm4b:s0+s2], $0x300, $0x38;
	[tilespmem:$0x7000] =	vst v63  }
0xcd: {  	s1 =	rddreg [dreg:$0x12]  }
0xce: {  	[tilespmem:s17], [sflag:$0x1] =	stream.linear.gather [hbm4b:s1+s2], $0x300, $0x38;
	[tilespmem:$0x7000] =	vst v63  }
0xcf: {  	s0 =	rddreg [dreg:$0x13]  }
0xd0: {  	[tilespmem:s24], [sflag:$0x1] =	stream.linear.gather [hbm4b:s0+s2], $0x300, $0x38;
	[tilespmem:$0x7000] =	vst v63  }
0xd1: {  	s1 =	rddreg [dreg:$0x14]  }
0xd2: {  	[tilespmem:s25], [sflag:$0x1] =	stream.linear.gather [hbm4b:s1+s2], $0x300, $0x38;
	[tilespmem:$0x7000] =	vst v63  }
0xd3: {  	s0 =	rddreg [dreg:$0x15]  }
0xd4: {  	[tilespmem:s15], [sflag:$0x1] =	stream.linear.gather [hbm4b:s0+s2], $0x300, $0x38;
	[tilespmem:$0x7000] =	vst v63  }
0xd5: {  	s1 =	rddreg [dreg:$0x16]  }
0xd6: {  	[tilespmem:s26], [sflag:$0x1] =	stream.linear.gather [hbm4b:s1+s2], $0x300, $0x38;
	[tilespmem:$0x7000] =	vst v63  }
0xd7: {  	s0 =	rddreg [dreg:$0x17]  }
0xd8: {  	[tilespmem:s28], [sflag:$0x1] =	stream.linear.gather [hbm4b:s0+s2], $0x300, $0x38;
	[tilespmem:$0x7000] =	vst v63  }
0xd9: {  	s1 =	rddreg [dreg:$0x18]  }
0xda: {  	[tilespmem:s3], [sflag:$0x1] =	stream.linear.gather [hbm4b:s1+s2], $0x300, $0x38;
	[tilespmem:$0x7000] =	vst v63  }
0xdb: {  	s0 =	rddreg [dreg:$0x19]  }
0xdc: {  	[tilespmem:s18], [sflag:$0x1] =	stream.linear.gather [hbm4b:s0+s2], $0x300, $0x38;
	[tilespmem:$0x7000] =	vst v63  }
0xdd: {  	s1 =	rddreg [dreg:$0x1a]  }
0xde: {  	[tilespmem:s30], [sflag:$0x1] =	stream.linear.gather [hbm4b:s1+s2], $0x300, $0x38;
	[tilespmem:$0x7000] =	vst v63  }
0xdf: {  	s0 =	rddreg [dreg:$0x1b]  }
0xe0: {  	[tilespmem:s21], [sflag:$0x1] =	stream.linear.gather [hbm4b:s0+s2], $0x300, $0x38;
	[tilespmem:$0x7000] =	vst v63  }
0xe1: {  	s1 =	rddreg [dreg:$0x1c]  }
0xe2: {  	[tilespmem:s12], [sflag:$0x1] =	stream.linear.gather [hbm4b:s1+s2], $0x300, $0x38;
	[tilespmem:$0x7000] =	vst v63  }
0xe3: {  	s0 =	rddreg [dreg:$0x1d];
	s1 =	simm.s32 $0x6C00  }
0xe4: {  	[tilespmem:s1], [sflag:$0x1] =	stream.linear.gather [hbm4b:s0+s2], $0x300, $0x38;
	[tilespmem:$0x7000] =	vst v63  }
0xe5: {  	_ =	swait.ge [sflag:s4], $0x6200  }
0xe6: {  	s0 =	sld [smem:$0x7FC]  }
0xe7: {  	[sflag:s4] =	ssyncset.done $0x0  }
0xe8: {  	[sflag:s4] =	ssyncadd.s32 $0xFFFF9E00  }
0xe9: {  	[hbm4b:s0+s2] =	stream.linear.scatter [tilespmem:s2], [sflag:$0x1], $0x400, $0x38;
	[tilespmem:$0x7000] =	vst v63  }
0xea: {  	s0 =	rddreg [dreg:$0x1e]  }
0xeb: {  	[hbm4b:s0+s2] =	stream.linear.scatter [tilespmem:s19], [sflag:$0x1], $0x400, $0x38;
	[tilespmem:$0x7000] =	vst v63  }
0xec: {  	s0 =	rddreg [dreg:$0x1f]  }
0xed: {  	[hbm4b:s0+s2] =	stream.linear.scatter [tilespmem:s22], [sflag:$0x1], $0x400, $0x38;
	[tilespmem:$0x7000] =	vst v63  }
0xee: {  	s0 =	sld [smem:$0x7E4];
	_ =	sdelay $0x2  }
0xef: {  	[hbm4b:s0+s2] =	stream.linear.scatter [tilespmem:s13], [sflag:$0x1], $0x400, $0x38;
	[tilespmem:$0x7000] =	vst v63  }
0xf0: {  	s0 =	sld [smem:$0x7E5];
	_ =	sdelay $0x2  }
0xf1: {  	[hbm4b:s0+s2] =	stream.linear.scatter [tilespmem:s14], [sflag:$0x1], $0x400, $0x38;
	[tilespmem:$0x7000] =	vst v63  }
0xf2: {  	s0 =	sld [smem:$0x7E6];
	_ =	sdelay $0x2  }
0xf3: {  	[hbm4b:s0+s2] =	stream.linear.scatter [tilespmem:s6], [sflag:$0x1], $0x400, $0x38;
	[tilespmem:$0x7000] =	vst v63  }
0xf4: {  	s0 =	sld [smem:$0x7E7];
	_ =	sdelay $0x2  }
0xf5: {  	[hbm4b:s0+s2] =	stream.linear.scatter [tilespmem:s29], [sflag:$0x1], $0x400, $0x38;
	[tilespmem:$0x7000] =	vst v63  }
0xf6: {  	s0 =	sld [smem:$0x7E8];
	_ =	sdelay $0x2  }
0xf7: {  	[hbm4b:s0+s2] =	stream.linear.scatter [tilespmem:s5], [sflag:$0x1], $0x400, $0x38;
	[tilespmem:$0x7000] =	vst v63  }
0xf8: {  	s0 =	sld [smem:$0x7E9];
	_ =	sdelay $0x2  }
0xf9: {  	[hbm4b:s0+s2] =	stream.linear.scatter [tilespmem:s9], [sflag:$0x1], $0x400, $0x38;
	[tilespmem:$0x7000] =	vst v63  }
0xfa: {  	s0 =	sld [smem:$0x7EA];
	_ =	sdelay $0x2  }
0xfb: {  	[hbm4b:s0+s2] =	stream.linear.scatter [tilespmem:s11], [sflag:$0x1], $0x400, $0x38;
	[tilespmem:$0x7000] =	vst v63  }
0xfc: {  	s0 =	sld [smem:$0x7EB];
	_ =	sdelay $0x2  }
0xfd: {  	[hbm4b:s0+s2] =	stream.linear.scatter [tilespmem:s20], [sflag:$0x1], $0x400, $0x38;
	[tilespmem:$0x7000] =	vst v63  }
0xfe: {  	s0 =	sld [smem:$0x7EC];
	_ =	sdelay $0x2  }
0xff: {  	[hbm4b:s0+s2] =	stream.linear.scatter [tilespmem:s7], [sflag:$0x1], $0x400, $0x38;
	[tilespmem:$0x7000] =	vst v63  }
0x100: {  	s0 =	sld [smem:$0x7ED];
	_ =	sdelay $0x2  }
0x101: {  	[hbm4b:s0+s2] =	stream.linear.scatter [tilespmem:s16], [sflag:$0x1], $0x400, $0x38;
	[tilespmem:$0x7000] =	vst v63  }
0x102: {  	s0 =	sld [smem:$0x7EE];
	_ =	sdelay $0x2  }
0x103: {  	[hbm4b:s0+s2] =	stream.linear.scatter [tilespmem:s10], [sflag:$0x1], $0x400, $0x38;
	[tilespmem:$0x7000] =	vst v63  }
0x104: {  	s0 =	sld [smem:$0x7EF];
	_ =	sdelay $0x2  }
0x105: {  	[hbm4b:s0+s2] =	stream.linear.scatter [tilespmem:s23], [sflag:$0x1], $0x300, $0x38;
	[tilespmem:$0x7000] =	vst v63  }
0x106: {  	s0 =	sld [smem:$0x7F0];
	_ =	sdelay $0x2  }
0x107: {  	[hbm4b:s0+s2] =	stream.linear.scatter [tilespmem:s8], [sflag:$0x1], $0x300, $0x38;
	[tilespmem:$0x7000] =	vst v63  }
0x108: {  	s0 =	sld [smem:$0x7F1];
	_ =	sdelay $0x2  }
0x109: {  	[hbm4b:s0+s2] =	stream.linear.scatter [tilespmem:s17], [sflag:$0x1], $0x300, $0x38;
	[tilespmem:$0x7000] =	vst v63  }
0x10a: {  	s0 =	sld [smem:$0x7F2];
	_ =	sdelay $0x2  }
0x10b: {  	[hbm4b:s0+s2] =	stream.linear.scatter [tilespmem:s24], [sflag:$0x1], $0x300, $0x38;
	[tilespmem:$0x7000] =	vst v63  }
0x10c: {  	s0 =	sld [smem:$0x7F3];
	_ =	sdelay $0x2  }
0x10d: {  	[hbm4b:s0+s2] =	stream.linear.scatter [tilespmem:s25], [sflag:$0x1], $0x300, $0x38;
	[tilespmem:$0x7000] =	vst v63  }
0x10e: {  	s0 =	sld [smem:$0x7F4];
	_ =	sdelay $0x2  }
0x10f: {  	[hbm4b:s0+s2] =	stream.linear.scatter [tilespmem:s15], [sflag:$0x1], $0x300, $0x38;
	[tilespmem:$0x7000] =	vst v63  }
0x110: {  	s0 =	sld [smem:$0x7F5];
	_ =	sdelay $0x2  }
0x111: {  	[hbm4b:s0+s2] =	stream.linear.scatter [tilespmem:s26], [sflag:$0x1], $0x300, $0x38;
	[tilespmem:$0x7000] =	vst v63  }
0x112: {  	s0 =	sld [smem:$0x7F6];
	_ =	sdelay $0x2  }
0x113: {  	[hbm4b:s0+s2] =	stream.linear.scatter [tilespmem:s28], [sflag:$0x1], $0x300, $0x38;
	[tilespmem:$0x7000] =	vst v63  }
0x114: {  	s0 =	sld [smem:$0x7F7];
	_ =	sdelay $0x2  }
0x115: {  	[hbm4b:s0+s2] =	stream.linear.scatter [tilespmem:s3], [sflag:$0x1], $0x300, $0x38;
	[tilespmem:$0x7000] =	vst v63  }
0x116: {  	s0 =	sld [smem:$0x7F8];
	_ =	sdelay $0x2  }
0x117: {  	[hbm4b:s0+s2] =	stream.linear.scatter [tilespmem:s18], [sflag:$0x1], $0x300, $0x38;
	[tilespmem:$0x7000] =	vst v63  }
0x118: {  	s0 =	sld [smem:$0x7F9];
	_ =	sdelay $0x2  }
0x119: {  	[hbm4b:s0+s2] =	stream.linear.scatter [tilespmem:s30], [sflag:$0x1], $0x300, $0x38;
	[tilespmem:$0x7000] =	vst v63  }
0x11a: {  	s0 =	sld [smem:$0x7FA];
	_ =	sdelay $0x2  }
0x11b: {  	[hbm4b:s0+s2] =	stream.linear.scatter [tilespmem:s21], [sflag:$0x1], $0x300, $0x38;
	[tilespmem:$0x7000] =	vst v63  }
0x11c: {  	s0 =	sld [smem:$0x7FB];
	_ =	sdelay $0x2  }
0x11d: {  	[hbm4b:s0+s2] =	stream.linear.scatter [tilespmem:s12], [sflag:$0x1], $0x300, $0x38;
	[tilespmem:$0x7000] =	vst v63  }
0x11e: {  	p1 =	sne.s32 s31, $0x1;
	s0 =	sld [smem:$0x7FD]  }
.Ltmp2:
0x11f: {  	_ = 	snop;
	(pc) =	sbr.rel @p1 .LBB2_3-.Ltmp2, $4  }
0x120: {  	_ = 	snop  }
0x121: {  	[hbm4b:s0+s2] =	stream.linear.scatter [tilespmem:s1], [sflag:$0x1], $0x300, $0x38;
	[tilespmem:$0x7000] =	vst v63  }
0x122: {  	_ =	swait.ge [sflag:s4], $0x6200  }
0x123: {  	s31 =	sadd.s32 $0xFFFFFFFF, s31;
	[sflag:s4] =	ssyncset.done $0x0  }
0x124: {  	s30 =	stileid.u32  }
0x125: {  	s28 =	sld [smem:$0x7FC];
	s7 =	simm.s32 $0x6400;
	s31 =	simm.s32 $0x5C00  }
0x126: {  	s5 =	simm.s32 $0x3C00;
	s24 =	simm.s32 $0x5400;
	s8 =	simm.s32 $0x3400  }
0x127: {  	s9 =	simm.s32 $0x4C00;
	s10 =	simm.s32 $0x2C00;
	s11 =	simm.s32 $0x4400  }
0x128: {  	s12 =	simm.s32 $0x2400;
	s13 =	simm.s32 $0x1C00;
	s14 =	simm.s32 $0x1400  }
0x129: {  	s15 =	simm.s32 $0xC00;
	s16 =	simm.s32 $0x400;
	s17 =	simm.s32 $0x6800  }
0x12a: {  	s18 =	simm.s32 $0x6000;
	s19 =	simm.s32 $0x5800;
	s20 =	simm.s32 $0x5000  }
0x12b: {  	s21 =	simm.s32 $0x4800;
	s22 =	simm.s32 $0x4000;
	s23 =	simm.s32 $0x3800  }
0x12c: {  	s25 =	simm.s32 $0x3000;
	s26 =	simm.s32 $0x2800;
	s3 =	simm.s32 $0x1000  }
.LBB2_5:
0x12d: {  	s0 =	rddreg [dreg:$0x2];
	[sflag:s4] =	ssyncadd.s32 @p0 $0xFFFF9E00  }
0x12e: {  	[tilespmem:s2], [sflag:$0x1] =	stream.linear.gather [hbm4b:s0+s2], $0x400, $0x38;
	[tilespmem:$0x7000] =	vst v63  }
0x12f: {  	s1 =	rddreg [dreg:$0x3];
	s6 =	simm.s32 $0x800  }
0x130: {  	[tilespmem:s6], [sflag:$0x1] =	stream.linear.gather [hbm4b:s1+s2], $0x400, $0x38;
	[tilespmem:$0x7000] =	vst v63  }
0x131: {  	s0 =	rddreg [dreg:$0x4]  }
0x132: {  	[tilespmem:s3], [sflag:$0x1] =	stream.linear.gather [hbm4b:s0+s2], $0x400, $0x38;
	[tilespmem:$0x7000] =	vst v63  }
0x133: {  	s29 =	rddreg [dreg:$0x5];
	s3 =	simm.s32 $0x1800  }
0x134: {  	[tilespmem:s3], [sflag:$0x1] =	stream.linear.gather [hbm4b:s29+s2], $0x400, $0x38;
	[tilespmem:$0x7000] =	vst v63  }
0x135: {  	s0 =	rddreg [dreg:$0x6];
	s29 =	simm.s32 $0x2000  }
0x136: {  	[tilespmem:s29], [sflag:$0x1] =	stream.linear.gather [hbm4b:s0+s2], $0x400, $0x38;
	[tilespmem:$0x7000] =	vst v63  }
0x137: {  	s1 =	rddreg [dreg:$0x7]  }
0x138: {  	[tilespmem:s26], [sflag:$0x1] =	stream.linear.gather [hbm4b:s1+s2], $0x400, $0x38;
	[tilespmem:$0x7000] =	vst v63  }
0x139: {  	s0 =	rddreg [dreg:$0x8]  }
0x13a: {  	[tilespmem:s25], [sflag:$0x1] =	stream.linear.gather [hbm4b:s0+s2], $0x400, $0x38;
	[tilespmem:$0x7000] =	vst v63  }
0x13b: {  	s1 =	rddreg [dreg:$0x9]  }
0x13c: {  	[tilespmem:s23], [sflag:$0x1] =	stream.linear.gather [hbm4b:s1+s2], $0x400, $0x38;
	[tilespmem:$0x7000] =	vst v63  }
0x13d: {  	s0 =	rddreg [dreg:$0xa]  }
0x13e: {  	[tilespmem:s22], [sflag:$0x1] =	stream.linear.gather [hbm4b:s0+s2], $0x400, $0x38;
	[tilespmem:$0x7000] =	vst v63  }
0x13f: {  	s1 =	rddreg [dreg:$0xb]  }
0x140: {  	[tilespmem:s21], [sflag:$0x1] =	stream.linear.gather [hbm4b:s1+s2], $0x400, $0x38;
	[tilespmem:$0x7000] =	vst v63  }
0x141: {  	s0 =	rddreg [dreg:$0xc]  }
0x142: {  	[tilespmem:s20], [sflag:$0x1] =	stream.linear.gather [hbm4b:s0+s2], $0x400, $0x38;
	[tilespmem:$0x7000] =	vst v63  }
0x143: {  	s1 =	rddreg [dreg:$0xd]  }
0x144: {  	[tilespmem:s19], [sflag:$0x1] =	stream.linear.gather [hbm4b:s1+s2], $0x400, $0x38;
	[tilespmem:$0x7000] =	vst v63  }
0x145: {  	s0 =	rddreg [dreg:$0xe]  }
0x146: {  	[tilespmem:s18], [sflag:$0x1] =	stream.linear.gather [hbm4b:s0+s2], $0x400, $0x38;
	[tilespmem:$0x7000] =	vst v63  }
0x147: {  	s1 =	rddreg [dreg:$0xf]  }
0x148: {  	[tilespmem:s17], [sflag:$0x1] =	stream.linear.gather [hbm4b:s1+s2], $0x400, $0x38;
	[tilespmem:$0x7000] =	vst v63  }
0x149: {  	s0 =	rddreg [dreg:$0x10]  }
0x14a: {  	[tilespmem:s16], [sflag:$0x1] =	stream.linear.gather [hbm4b:s0+s2], $0x300, $0x38;
	[tilespmem:$0x7000] =	vst v63  }
0x14b: {  	s1 =	rddreg [dreg:$0x11]  }
0x14c: {  	[tilespmem:s15], [sflag:$0x1] =	stream.linear.gather [hbm4b:s1+s2], $0x300, $0x38;
	[tilespmem:$0x7000] =	vst v63  }
0x14d: {  	s0 =	rddreg [dreg:$0x12]  }
0x14e: {  	[tilespmem:s14], [sflag:$0x1] =	stream.linear.gather [hbm4b:s0+s2], $0x300, $0x38;
	[tilespmem:$0x7000] =	vst v63  }
0x14f: {  	s1 =	rddreg [dreg:$0x13]  }
0x150: {  	[tilespmem:s13], [sflag:$0x1] =	stream.linear.gather [hbm4b:s1+s2], $0x300, $0x38;
	[tilespmem:$0x7000] =	vst v63  }
0x151: {  	s0 =	rddreg [dreg:$0x14]  }
0x152: {  	[tilespmem:s12], [sflag:$0x1] =	stream.linear.gather [hbm4b:s0+s2], $0x300, $0x38;
	[tilespmem:$0x7000] =	vst v63  }
0x153: {  	s1 =	rddreg [dreg:$0x15]  }
0x154: {  	[tilespmem:s10], [sflag:$0x1] =	stream.linear.gather [hbm4b:s1+s2], $0x300, $0x38;
	[tilespmem:$0x7000] =	vst v63  }
0x155: {  	s0 =	rddreg [dreg:$0x16]  }
0x156: {  	[tilespmem:s8], [sflag:$0x1] =	stream.linear.gather [hbm4b:s0+s2], $0x300, $0x38;
	[tilespmem:$0x7000] =	vst v63  }
0x157: {  	s1 =	rddreg [dreg:$0x17]  }
0x158: {  	[tilespmem:s5], [sflag:$0x1] =	stream.linear.gather [hbm4b:s1+s2], $0x300, $0x38;
	[tilespmem:$0x7000] =	vst v63  }
0x159: {  	s0 =	rddreg [dreg:$0x18]  }
0x15a: {  	[tilespmem:s11], [sflag:$0x1] =	stream.linear.gather [hbm4b:s0+s2], $0x300, $0x38;
	[tilespmem:$0x7000] =	vst v63  }
0x15b: {  	s1 =	rddreg [dreg:$0x19]  }
0x15c: {  	[tilespmem:s9], [sflag:$0x1] =	stream.linear.gather [hbm4b:s1+s2], $0x300, $0x38;
	[tilespmem:$0x7000] =	vst v63  }
0x15d: {  	s0 =	rddreg [dreg:$0x1a]  }
0x15e: {  	[tilespmem:s24], [sflag:$0x1] =	stream.linear.gather [hbm4b:s0+s2], $0x300, $0x38;
	[tilespmem:$0x7000] =	vst v63  }
0x15f: {  	s1 =	rddreg [dreg:$0x1b]  }
0x160: {  	[tilespmem:s31], [sflag:$0x1] =	stream.linear.gather [hbm4b:s1+s2], $0x300, $0x38;
	[tilespmem:$0x7000] =	vst v63  }
0x161: {  	s0 =	rddreg [dreg:$0x1c]  }
0x162: {  	[tilespmem:s7], [sflag:$0x1] =	stream.linear.gather [hbm4b:s0+s2], $0x300, $0x38;
	[tilespmem:$0x7000] =	vst v63  }
0x163: {  	s1 =	rddreg [dreg:$0x1d];
	s0 =	simm.s32 $0x6C00  }
0x164: {  	[tilespmem:s0], [sflag:$0x1] =	stream.linear.gather [hbm4b:s1+s2], $0x300, $0x38;
	[tilespmem:$0x7000] =	vst v63  }
0x165: {  	_ =	swait.ge [sflag:s4], $0x6200  }
0x166: {  	[sflag:s4] =	ssyncset.done $0x0  }
0x167: {  	[sflag:s4] =	ssyncadd.s32 $0xFFFF9E00  }
0x168: {  	[hbm4b:s28+s2] =	stream.linear.scatter [tilespmem:s2], [sflag:$0x1], $0x400, $0x38;
	[tilespmem:$0x7000] =	vst v63  }
0x169: {  	s0 =	sadd.s32 $0x400, s28  }
0x16a: {  	[hbm4b:s0+s2] =	stream.linear.scatter [tilespmem:s6], [sflag:$0x1], $0x400, $0x38;
	[tilespmem:$0x7000] =	vst v63  }
0x16b: {  	s0 =	sadd.s32 $0x800, s28;
	s6 =	simm.s32 $0x1000  }
0x16c: {  	[hbm4b:s0+s2] =	stream.linear.scatter [tilespmem:s6], [sflag:$0x1], $0x400, $0x38;
	[tilespmem:$0x7000] =	vst v63  }
0x16d: {  	s6 =	sadd.s32 $0xC00, s28  }
0x16e: {  	[hbm4b:s6+s2] =	stream.linear.scatter [tilespmem:s3], [sflag:$0x1], $0x400, $0x38;
	[tilespmem:$0x7000] =	vst v63  }
0x16f: {  	s3 =	sadd.s32 $0x1000, s28  }
0x170: {  	[hbm4b:s3+s2] =	stream.linear.scatter [tilespmem:s29], [sflag:$0x1], $0x400, $0x38;
	[tilespmem:$0x7000] =	vst v63  }
0x171: {  	s6 =	sadd.s32 $0x1400, s28  }
0x172: {  	[hbm4b:s6+s2] =	stream.linear.scatter [tilespmem:s26], [sflag:$0x1], $0x400, $0x38;
	[tilespmem:$0x7000] =	vst v63  }
0x173: {  	s29 =	sadd.s32 $0x1800, s28  }
0x174: {  	[hbm4b:s29+s2] =	stream.linear.scatter [tilespmem:s25], [sflag:$0x1], $0x400, $0x38;
	[tilespmem:$0x7000] =	vst v63  }
0x175: {  	s3 =	sadd.s32 $0x1C00, s28  }
0x176: {  	[hbm4b:s3+s2] =	stream.linear.scatter [tilespmem:s23], [sflag:$0x1], $0x400, $0x38;
	[tilespmem:$0x7000] =	vst v63  }
0x177: {  	s6 =	sadd.s32 $0x2000, s28  }
0x178: {  	[hbm4b:s6+s2] =	stream.linear.scatter [tilespmem:s22], [sflag:$0x1], $0x400, $0x38;
	[tilespmem:$0x7000] =	vst v63  }
0x179: {  	s22 =	sadd.s32 $0x2400, s28  }
0x17a: {  	[hbm4b:s22+s2] =	stream.linear.scatter [tilespmem:s21], [sflag:$0x1], $0x400, $0x38;
	[tilespmem:$0x7000] =	vst v63  }
0x17b: {  	s23 =	sadd.s32 $0x2800, s28  }
0x17c: {  	[hbm4b:s23+s2] =	stream.linear.scatter [tilespmem:s20], [sflag:$0x1], $0x400, $0x38;
	[tilespmem:$0x7000] =	vst v63  }
0x17d: {  	s25 =	sadd.s32 $0x2C00, s28  }
0x17e: {  	[hbm4b:s25+s2] =	stream.linear.scatter [tilespmem:s19], [sflag:$0x1], $0x400, $0x38;
	[tilespmem:$0x7000] =	vst v63  }
0x17f: {  	s26 =	sadd.s32 $0x3000, s28  }
0x180: {  	[hbm4b:s26+s2] =	stream.linear.scatter [tilespmem:s18], [sflag:$0x1], $0x400, $0x38;
	[tilespmem:$0x7000] =	vst v63  }
0x181: {  	s29 =	sadd.s32 $0x3400, s28  }
0x182: {  	[hbm4b:s29+s2] =	stream.linear.scatter [tilespmem:s17], [sflag:$0x1], $0x400, $0x38;
	[tilespmem:$0x7000] =	vst v63  }
0x183: {  	s3 =	sadd.s32 $0x200, s28  }
0x184: {  	[hbm4b:s3+s2] =	stream.linear.scatter [tilespmem:s16], [sflag:$0x1], $0x300, $0x38;
	[tilespmem:$0x7000] =	vst v63  }
0x185: {  	s6 =	sadd.s32 $0x600, s28  }
0x186: {  	[hbm4b:s6+s2] =	stream.linear.scatter [tilespmem:s15], [sflag:$0x1], $0x300, $0x38;
	[tilespmem:$0x7000] =	vst v63  }
0x187: {  	s16 =	sadd.s32 $0xA00, s28  }
0x188: {  	[hbm4b:s16+s2] =	stream.linear.scatter [tilespmem:s14], [sflag:$0x1], $0x300, $0x38;
	[tilespmem:$0x7000] =	vst v63  }
0x189: {  	s17 =	sadd.s32 $0xE00, s28  }
0x18a: {  	[hbm4b:s17+s2] =	stream.linear.scatter [tilespmem:s13], [sflag:$0x1], $0x300, $0x38;
	[tilespmem:$0x7000] =	vst v63  }
0x18b: {  	s18 =	sadd.s32 $0x1200, s28  }
0x18c: {  	[hbm4b:s18+s2] =	stream.linear.scatter [tilespmem:s12], [sflag:$0x1], $0x300, $0x38;
	[tilespmem:$0x7000] =	vst v63  }
0x18d: {  	s19 =	sadd.s32 $0x1600, s28  }
0x18e: {  	[hbm4b:s19+s2] =	stream.linear.scatter [tilespmem:s10], [sflag:$0x1], $0x300, $0x38;
	[tilespmem:$0x7000] =	vst v63  }
0x18f: {  	s20 =	sadd.s32 $0x1A00, s28  }
0x190: {  	[hbm4b:s20+s2] =	stream.linear.scatter [tilespmem:s8], [sflag:$0x1], $0x300, $0x38;
	[tilespmem:$0x7000] =	vst v63  }
0x191: {  	s21 =	sadd.s32 $0x1E00, s28  }
0x192: {  	[hbm4b:s21+s2] =	stream.linear.scatter [tilespmem:s5], [sflag:$0x1], $0x300, $0x38;
	[tilespmem:$0x7000] =	vst v63  }
0x193: {  	s22 =	sadd.s32 $0x2200, s28  }
0x194: {  	[hbm4b:s22+s2] =	stream.linear.scatter [tilespmem:s11], [sflag:$0x1], $0x300, $0x38;
	[tilespmem:$0x7000] =	vst v63  }
0x195: {  	s23 =	sadd.s32 $0x2600, s28  }
0x196: {  	[hbm4b:s23+s2] =	stream.linear.scatter [tilespmem:s9], [sflag:$0x1], $0x300, $0x38;
	[tilespmem:$0x7000] =	vst v63  }
0x197: {  	s25 =	sadd.s32 $0x2A00, s28  }
0x198: {  	[hbm4b:s25+s2] =	stream.linear.scatter [tilespmem:s24], [sflag:$0x1], $0x300, $0x38;
	[tilespmem:$0x7000] =	vst v63  }
0x199: {  	s26 =	sadd.s32 $0x2E00, s28  }
0x19a: {  	[hbm4b:s26+s2] =	stream.linear.scatter [tilespmem:s31], [sflag:$0x1], $0x300, $0x38;
	[tilespmem:$0x7000] =	vst v63  }
0x19b: {  	s29 =	sadd.s32 $0x3200, s28  }
0x19c: {  	[hbm4b:s29+s2] =	stream.linear.scatter [tilespmem:s7], [sflag:$0x1], $0x300, $0x38;
	[tilespmem:$0x7000] =	vst v63  }
0x19d: {  	s1 =	simm.s32 $0x6C00;
	s31 =	sadd.s32 $0x3600, s28  }
0x19e: {  	[hbm4b:s31+s2] =	stream.linear.scatter [tilespmem:s1], [sflag:$0x1], $0x300, $0x38;
	[tilespmem:$0x7000] =	vst v63  }
0x19f: {  	_ =	swait.ge [sflag:s4], $0x6200  }
0x1a0: {  	[sflag:s4] =	ssyncset.done $0x0  }
0x1a1: {  	[sflag:s4] =	ssyncadd.s32 $0xFFFF9E00  }
0x1a2: {  	_ =	sfence.sel $0x180000  }
0x1a3: {  	[bflag:$0x0] =	sbarrier.arrive $0xFFFF  }
0x1a4: {  	_ =	strace $0x90000047  }
0x1a5: {  	[bflag:$0x2] =	sbarrier.arrive $0xFFFF  }
0x1a6: {  	p0 =	sne.s32 s30, $0x0;
	s0 =	rddreg [dreg:$0x1]  }
0x1a7: {  	s0 =	sadd.s32 @!p0 $0x100000, s0  }
0x1a8: {  	[sflag:s0] =	ssyncadd.tile.s32 @!p0 $0x1;
	_ =	shalt  }
.LBB2_6:
0x1a9: {  	s30 =	stileid.u32;
	s28 =	sld [smem:$0x7FC]  }
0x1aa: {  	s7 =	simm.s32 $0x6400;
	s31 =	simm.s32 $0x5C00;
	s5 =	simm.s32 $0x3C00  }
0x1ab: {  	s24 =	simm.s32 $0x5400;
	s8 =	simm.s32 $0x3400;
	s9 =	simm.s32 $0x4C00  }
0x1ac: {  	s10 =	simm.s32 $0x2C00;
	s11 =	simm.s32 $0x4400;
	s12 =	simm.s32 $0x2400  }
.Ltmp3:
0x1ad: {  	s13 =	simm.s32 $0x1C00;
	s14 =	simm.s32 $0x1400;
	(pc) =	sbr.rel .LBB2_5-.Ltmp3, $4  }
0x1ae: {  	s15 =	simm.s32 $0xC00;
	s16 =	simm.s32 $0x400;
	s17 =	simm.s32 $0x6800  }
0x1af: {  	s18 =	simm.s32 $0x6000;
	s19 =	simm.s32 $0x5800;
	s20 =	simm.s32 $0x5000  }
0x1b0: {  	s21 =	simm.s32 $0x4800;
	s22 =	simm.s32 $0x4000;
	s23 =	simm.s32 $0x3800  }
0x1b1: {  	s25 =	simm.s32 $0x3000;
	s26 =	simm.s32 $0x2800;
	s3 =	simm.s32 $0x1000  }
.Lfunc_end2:
_tile_overlayer_lowered:
.L_overlay_start_2:
0x1b2: {  	(tag) =	ssettag $0x2  }
0x1b3: {  	s0 =	rddreg [dreg:$0x0];
	s2 =	stileid.u32  }
0x1b4: {  	s1 =	rddreg [dreg:$0x1];
	p0 =	sne.s32 s2, $0x0  }
0x1b5: {  	s3 =	rddreg [dreg:$0x2];
	[bflag:$0x3] =	sbarrier.arrive $0xFFFF;
	s2 =	simm.s32 @!p0 $0x1C01  }
0x1b6: {  	[timem:s3], [sflag:s2] =	dma.local @!p0 [hbm:s0], s1  }
0x1b7: {  	s0 =	simm.s32 @!p0 $0x1  }
0x1b8: {  	_ =	swait.ge @!p0 [sflag:s0], s1  }
0x1b9: {  	s1 =	ssub.s32 @!p0 $0x0, s1;
	[sflag:s0] =	ssyncset.done @!p0 $0x0  }
0x1ba: {  	[sflag:s0] =	ssyncadd.s32 @!p0 s1  }
0x1bb: {  	[bflag:$0x3] =	sbarrier.arrive $0xFFFF  }
0x1bc: {  	_ =	shalt  }

</sc_bundles>
